<compile_context>
chip_gen: v7x
topology: tpu7x:2x2x1
jax: 0.10.2.dev20260603
libtpu: 0.0.44.dev20260713+nightly
codegen_flags: <defaults>
</compile_context>

<pallas_src>
import functools

import jax
import jax.numpy as jnp
from jax import lax
from jax.experimental import pallas as pl
from jax.experimental.pallas import tpu as pltpu, tpu_sc as plsc

_DIM = 768
_N_EXPERTS = 8
_TOP_K = 2
_BLOCK = 4096

_NC = 2
_NS = 16
_L = 16


def _scores_body(x_ref, w_ref, s_ref):
    s_ref[...] = jax.lax.dot_general(
        w_ref[...], x_ref[...], (((1,), (1,)), ((), ())),
        preferred_element_type=jnp.float32,
    )


def _route_body(tok_per_w, s_hbm, c_hbm, i_hbm, s_v, c_v, i_v):
    wid = lax.axis_index("s") * _NC + lax.axis_index("c")
    base = wid * tok_per_w
    pltpu.sync_copy(s_hbm.at[:, pl.ds(base, tok_per_w)], s_v)

    def group(g, carry):
        _one_group(g, s_v, c_v, i_v)
        return carry

    lax.fori_loop(0, tok_per_w // _L, group, 0)
    pltpu.sync_copy(c_v, c_hbm.at[:, pl.ds(base, tok_per_w)])
    pltpu.sync_copy(i_v, i_hbm.at[:, pl.ds(base, tok_per_w)])


def _one_group(g, s_v, c_v, i_v):
    off = g * _L
    ss = [s_v[e, pl.ds(off, _L)] for e in range(_N_EXPERTS)]
    m1 = ss[0]
    i1 = jnp.zeros((_L,), jnp.int32)
    m2 = jnp.full((_L,), -jnp.inf, jnp.float32)
    i2 = jnp.zeros((_L,), jnp.int32)
    for e in range(1, _N_EXPERTS):
        se = ss[e]
        gt1 = se > m1
        gt2 = se > m2
        m2n = jnp.where(gt1, m1, jnp.where(gt2, se, m2))
        i2n = jnp.where(gt1, i1, jnp.where(gt2, jnp.int32(e), i2))
        m1 = jnp.where(gt1, se, m1)
        i1 = jnp.where(gt1, jnp.int32(e), i1)
        m2 = m2n
        i2 = i2n
    z = jnp.exp(ss[0] - m1)
    for e in range(1, _N_EXPERTS):
        z = z + jnp.exp(ss[e] - m1)
    c_v[0, pl.ds(off, _L)] = 1.0 / z
    c_v[1, pl.ds(off, _L)] = jnp.exp(m2 - m1) / z
    i_v[0, pl.ds(off, _L)] = i1
    i_v[1, pl.ds(off, _L)] = i2


@jax.jit
def kernel(x, W):
    tokens = x.shape[0]
    scores_t = pl.pallas_call(
        _scores_body,
        grid=(tokens // _BLOCK,),
        in_specs=[
            pl.BlockSpec((_BLOCK, _DIM), lambda i: (i, 0)),
            pl.BlockSpec((_N_EXPERTS, _DIM), lambda i: (0, 0)),
        ],
        out_specs=pl.BlockSpec((_N_EXPERTS, _BLOCK), lambda i: (0, i)),
        out_shape=jax.ShapeDtypeStruct((_N_EXPERTS, tokens), jnp.float32),
    )(x, W)

    tok_per_w = tokens // (_NC * _NS)
    mesh = plsc.VectorSubcoreMesh(core_axis_name="c", subcore_axis_name="s")
    c_t, idx_t = pl.kernel(
        functools.partial(_route_body, tok_per_w),
        out_type=[
            jax.ShapeDtypeStruct((_TOP_K, tokens), jnp.float32),
            jax.ShapeDtypeStruct((_TOP_K, tokens), jnp.int32),
        ],
        mesh=mesh,
        scratch_types=[
            pltpu.VMEM((_N_EXPERTS, tok_per_w), jnp.float32),
            pltpu.VMEM((_TOP_K, tok_per_w), jnp.float32),
            pltpu.VMEM((_TOP_K, tok_per_w), jnp.int32),
        ],
    )(scores_t)
    return (c_t.T, idx_t.T)

# --- scband reference (transcript-rebuilt; emitter-appended) ---
"""Pipeline reference for scband-router-35622458753624 (READ-ONLY COPY).

The authoritative reference and input builder live on the scoring server;
editing this copy changes nothing except your own understanding.
"""

import jax, jax.numpy as jnp
import numpy as np

DIM = 768
N_EXPERTS = 8
TOP_K = 2
TOKENS = 32768


def setup_inputs(seed: int = 0) -> dict:
    key = jax.random.key(seed)
    kx, kw = jax.random.split(key)
    x = jax.random.normal(kx, (TOKENS, DIM), dtype=jnp.float32)
    # nn.Linear(dim, n, bias=False): weight shape [n, dim]
    W = jax.random.normal(kw, (N_EXPERTS, DIM), dtype=jnp.float32) * (1.0 / np.sqrt(DIM))
    return {"x": x, "W": W}


def reference(x, W):
    # eval-mode Router.forward: no gumbel noise, no sinkhorn aux loss
    scores = x @ W.T                       # [TOKENS, N_EXPERTS]
    _, indices = jax.lax.top_k(scores, TOP_K)  # topk on raw scores (scores_g == scores in eval)
    probs = jax.nn.softmax(scores, axis=-1)    # self.act(scores)
    c = jnp.take_along_axis(probs, indices, axis=-1)  # gather(-1, indices)
    return (c, indices)

if __name__ == "__main__":
    import jax
    _d = setup_inputs()
    print(jax.jit(kernel)(*tuple(_d.values())))

</pallas_src>

<mosaic_0001>
#map = affine_map<(d0, d1) -> (0, 0)>
module attributes {stable_mosaic.version = 14 : i64} {
  func.func @_route_body(%arg0: i32, %arg1: i32, %arg2: memref<8x32768xf32, #tpu.memory_space<hbm>>, %arg3: memref<2x32768xf32, #tpu.memory_space<hbm>>, %arg4: memref<2x32768xi32, #tpu.memory_space<hbm>>, %arg5: memref<8x1024xf32, #tpu.memory_space<vmem>>, %arg6: memref<2x1024xf32, #tpu.memory_space<vmem>>, %arg7: memref<2x1024xi32, #tpu.memory_space<vmem>>) attributes {dimension_semantics = [#tpu.dimension_semantics<core_parallel>, #tpu.dimension_semantics<subcore_parallel>], iteration_bounds = array<i64: 2, 16>, scalar_prefetch = 0 : i64, scratch_operands = 3 : i64, tpu.core_type = #tpu.core_type<sc_vector_subcore>, window_params = [{transform_indices = #map}, {transform_indices = #map}, {transform_indices = #map}]} {
    %mul3A = arith.constant 2 : i32
    %mul3A_0 = arith.muli %arg1, %mul3A : i32
    %add3A = arith.addi %mul3A_0, %arg0 : i32
    %mul3A_1 = arith.constant 1024 : i32
    %mul3A_2 = arith.muli %add3A, %mul3A_1 : i32
    "tpu.region"() ({
      %run_scoped3A = tpu.sem_alloc : memref<!tpu.dma_semaphore, #tpu.memory_space<semaphore_mem>>
      %dma_start3A = arith.constant 0 : i32
      %dma_start3A_8 = tpu.memref_slice %arg2[%dma_start3A, %mul3A_2] : memref<8x32768xf32, #tpu.memory_space<hbm>> -> memref<8x1024xf32, #tpu.memory_space<hbm>>
      %dma_start3A_9 = arith.constant 0 : i32
      %dma_start3A_10 = tpu.memref_slice %arg2[%dma_start3A_9, %mul3A_2] : memref<8x32768xf32, #tpu.memory_space<hbm>> -> memref<8x1024xf32, #tpu.memory_space<hbm>>
      tpu.enqueue_dma source(%dma_start3A_10 : memref<8x1024xf32, #tpu.memory_space<hbm>>) target(%arg5 : memref<8x1024xf32, #tpu.memory_space<vmem>>) target_semaphore(%run_scoped3A : memref<!tpu.dma_semaphore, #tpu.memory_space<semaphore_mem>>)
      %dma_wait3A = arith.constant 0 : i32
      %dma_wait3A_11 = tpu.memref_slice %arg2[%dma_wait3A, %mul3A_2] : memref<8x32768xf32, #tpu.memory_space<hbm>> -> memref<8x1024xf32, #tpu.memory_space<hbm>>
      %dma_wait3A_12 = arith.constant 0 : i32
      %dma_wait3A_13 = tpu.memref_slice %arg2[%dma_wait3A_12, %mul3A_2] : memref<8x32768xf32, #tpu.memory_space<hbm>> -> memref<8x1024xf32, #tpu.memory_space<hbm>>
      tpu.wait_dma2 semaphore(%run_scoped3A : memref<!tpu.dma_semaphore, #tpu.memory_space<semaphore_mem>>) src(%dma_wait3A_13 : memref<8x1024xf32, #tpu.memory_space<hbm>>) dst(%arg5 : memref<8x1024xf32, #tpu.memory_space<vmem>>)
      tpu.yield
    }) : () -> ()
    %scan3A = arith.constant 0 : i32
    %scan3A_3 = arith.constant 0 : i32
    %scan3A_4 = arith.constant 64 : i32
    %scan3A_5 = arith.addi %scan3A_3, %scan3A_4 : i32
    %scan3A_6 = arith.constant 1 : i32
    scf.for %scan3A_8 = %scan3A_3 to %scan3A_5 step %scan3A_6  : i32 {
      %mul3A_9 = arith.constant 16 : i32
      %mul3A_10 = arith.muli %scan3A_8, %mul3A_9 : i32
      %get3A = arith.constant 0 : i32
      %get3A_11 = arith.index_cast %get3A : i32 to index
      %get3A_12 = arith.index_cast %mul3A_10 : i32 to index
      %get3A_13 = tpu.vector_load %arg5[%get3A_11, %get3A_12] {strides = array<i32>} : memref<8x1024xf32, #tpu.memory_space<vmem>>, vector<1x16xf32>,
      %get3A_14 = vector.shape_cast %get3A_13 : vector<1x16xf32> to vector<16xf32>
      %get3A_15 = arith.constant 1 : i32
      %get3A_16 = arith.index_cast %get3A_15 : i32 to index
      %get3A_17 = arith.index_cast %mul3A_10 : i32 to index
      %get3A_18 = tpu.vector_load %arg5[%get3A_16, %get3A_17] {strides = array<i32>} : memref<8x1024xf32, #tpu.memory_space<vmem>>, vector<1x16xf32>,
      %get3A_19 = vector.shape_cast %get3A_18 : vector<1x16xf32> to vector<16xf32>
      %get3A_20 = arith.constant 2 : i32
      %get3A_21 = arith.index_cast %get3A_20 : i32 to index
      %get3A_22 = arith.index_cast %mul3A_10 : i32 to index
      %get3A_23 = tpu.vector_load %arg5[%get3A_21, %get3A_22] {strides = array<i32>} : memref<8x1024xf32, #tpu.memory_space<vmem>>, vector<1x16xf32>,
      %get3A_24 = vector.shape_cast %get3A_23 : vector<1x16xf32> to vector<16xf32>
      %get3A_25 = arith.constant 3 : i32
      %get3A_26 = arith.index_cast %get3A_25 : i32 to index
      %get3A_27 = arith.index_cast %mul3A_10 : i32 to index
      %get3A_28 = tpu.vector_load %arg5[%get3A_26, %get3A_27] {strides = array<i32>} : memref<8x1024xf32, #tpu.memory_space<vmem>>, vector<1x16xf32>,
      %get3A_29 = vector.shape_cast %get3A_28 : vector<1x16xf32> to vector<16xf32>
      %get3A_30 = arith.constant 4 : i32
      %get3A_31 = arith.index_cast %get3A_30 : i32 to index
      %get3A_32 = arith.index_cast %mul3A_10 : i32 to index
      %get3A_33 = tpu.vector_load %arg5[%get3A_31, %get3A_32] {strides = array<i32>} : memref<8x1024xf32, #tpu.memory_space<vmem>>, vector<1x16xf32>,
      %get3A_34 = vector.shape_cast %get3A_33 : vector<1x16xf32> to vector<16xf32>
      %get3A_35 = arith.constant 5 : i32
      %get3A_36 = arith.index_cast %get3A_35 : i32 to index
      %get3A_37 = arith.index_cast %mul3A_10 : i32 to index
      %get3A_38 = tpu.vector_load %arg5[%get3A_36, %get3A_37] {strides = array<i32>} : memref<8x1024xf32, #tpu.memory_space<vmem>>, vector<1x16xf32>,
      %get3A_39 = vector.shape_cast %get3A_38 : vector<1x16xf32> to vector<16xf32>
      %get3A_40 = arith.constant 6 : i32
      %get3A_41 = arith.index_cast %get3A_40 : i32 to index
      %get3A_42 = arith.index_cast %mul3A_10 : i32 to index
      %get3A_43 = tpu.vector_load %arg5[%get3A_41, %get3A_42] {strides = array<i32>} : memref<8x1024xf32, #tpu.memory_space<vmem>>, vector<1x16xf32>,
      %get3A_44 = vector.shape_cast %get3A_43 : vector<1x16xf32> to vector<16xf32>
      %get3A_45 = arith.constant 7 : i32
      %get3A_46 = arith.index_cast %get3A_45 : i32 to index
      %get3A_47 = arith.index_cast %mul3A_10 : i32 to index
      %get3A_48 = tpu.vector_load %arg5[%get3A_46, %get3A_47] {strides = array<i32>} : memref<8x1024xf32, #tpu.memory_space<vmem>>, vector<1x16xf32>,
      %get3A_49 = vector.shape_cast %get3A_48 : vector<1x16xf32> to vector<16xf32>
      %broadcast_in_dim3A = arith.constant 0 : i32
      %broadcast_in_dim3A_50 = vector.broadcast %broadcast_in_dim3A : i32 to vector<16xi32>
      %broadcast_in_dim3A_51 = arith.constant 0xFF800000 : f32
      %broadcast_in_dim3A_52 = vector.broadcast %broadcast_in_dim3A_51 : f32 to vector<16xf32>
      %broadcast_in_dim3A_53 = arith.constant 0 : i32
      %broadcast_in_dim3A_54 = vector.broadcast %broadcast_in_dim3A_53 : i32 to vector<16xi32>
      %gt3A = arith.cmpf ogt, %get3A_19, %get3A_14 : vector<16xf32>
      %gt3A_55 = arith.cmpf ogt, %get3A_19, %broadcast_in_dim3A_52 : vector<16xf32>
      %select_n3A = arith.select %gt3A_55, %get3A_19, %broadcast_in_dim3A_52 : vector<16xi1>, vector<16xf32>
      %select_n3A_56 = arith.select %gt3A, %get3A_14, %select_n3A : vector<16xi1>, vector<16xf32>
      %jit3A = arith.constant 1 : i32
      %broadcast_in_dim3A_57 = vector.broadcast %jit3A : i32 to vector<16xi32>
      %select_n3A_58 = arith.select %gt3A_55, %broadcast_in_dim3A_57, %broadcast_in_dim3A_54 : vector<16xi1>, vector<16xi32>
      %select_n3A_59 = arith.select %gt3A, %broadcast_in_dim3A_50, %select_n3A_58 : vector<16xi1>, vector<16xi32>
      %select_n3A_60 = arith.select %gt3A, %get3A_19, %get3A_14 : vector<16xi1>, vector<16xf32>
      %jit3A_61 = arith.constant 1 : i32
      %broadcast_in_dim3A_62 = vector.broadcast %jit3A_61 : i32 to vector<16xi32>
      %select_n3A_63 = arith.select %gt3A, %broadcast_in_dim3A_62, %broadcast_in_dim3A_50 : vector<16xi1>, vector<16xi32>
      %gt3A_64 = arith.cmpf ogt, %get3A_24, %select_n3A_60 : vector<16xf32>
      %gt3A_65 = arith.cmpf ogt, %get3A_24, %select_n3A_56 : vector<16xf32>
      %select_n3A_66 = arith.select %gt3A_65, %get3A_24, %select_n3A_56 : vector<16xi1>, vector<16xf32>
      %select_n3A_67 = arith.select %gt3A_64, %select_n3A_60, %select_n3A_66 : vector<16xi1>, vector<16xf32>
      %jit3A_68 = arith.constant 2 : i32
      %broadcast_in_dim3A_69 = vector.broadcast %jit3A_68 : i32 to vector<16xi32>
      %select_n3A_70 = arith.select %gt3A_65, %broadcast_in_dim3A_69, %select_n3A_59 : vector<16xi1>, vector<16xi32>
      %select_n3A_71 = arith.select %gt3A_64, %select_n3A_63, %select_n3A_70 : vector<16xi1>, vector<16xi32>
      %select_n3A_72 = arith.select %gt3A_64, %get3A_24, %select_n3A_60 : vector<16xi1>, vector<16xf32>
      %jit3A_73 = arith.constant 2 : i32
      %broadcast_in_dim3A_74 = vector.broadcast %jit3A_73 : i32 to vector<16xi32>
      %select_n3A_75 = arith.select %gt3A_64, %broadcast_in_dim3A_74, %select_n3A_63 : vector<16xi1>, vector<16xi32>
      %gt3A_76 = arith.cmpf ogt, %get3A_29, %select_n3A_72 : vector<16xf32>
      %gt3A_77 = arith.cmpf ogt, %get3A_29, %select_n3A_67 : vector<16xf32>
      %select_n3A_78 = arith.select %gt3A_77, %get3A_29, %select_n3A_67 : vector<16xi1>, vector<16xf32>
      %select_n3A_79 = arith.select %gt3A_76, %select_n3A_72, %select_n3A_78 : vector<16xi1>, vector<16xf32>
      %jit3A_80 = arith.constant 3 : i32
      %broadcast_in_dim3A_81 = vector.broadcast %jit3A_80 : i32 to vector<16xi32>
      %select_n3A_82 = arith.select %gt3A_77, %broadcast_in_dim3A_81, %select_n3A_71 : vector<16xi1>, vector<16xi32>
      %select_n3A_83 = arith.select %gt3A_76, %select_n3A_75, %select_n3A_82 : vector<16xi1>, vector<16xi32>
      %select_n3A_84 = arith.select %gt3A_76, %get3A_29, %select_n3A_72 : vector<16xi1>, vector<16xf32>
      %jit3A_85 = arith.constant 3 : i32
      %broadcast_in_dim3A_86 = vector.broadcast %jit3A_85 : i32 to vector<16xi32>
      %select_n3A_87 = arith.select %gt3A_76, %broadcast_in_dim3A_86, %select_n3A_75 : vector<16xi1>, vector<16xi32>
      %gt3A_88 = arith.cmpf ogt, %get3A_34, %select_n3A_84 : vector<16xf32>
      %gt3A_89 = arith.cmpf ogt, %get3A_34, %select_n3A_79 : vector<16xf32>
      %select_n3A_90 = arith.select %gt3A_89, %get3A_34, %select_n3A_79 : vector<16xi1>, vector<16xf32>
      %select_n3A_91 = arith.select %gt3A_88, %select_n3A_84, %select_n3A_90 : vector<16xi1>, vector<16xf32>
      %jit3A_92 = arith.constant 4 : i32
      %broadcast_in_dim3A_93 = vector.broadcast %jit3A_92 : i32 to vector<16xi32>
      %select_n3A_94 = arith.select %gt3A_89, %broadcast_in_dim3A_93, %select_n3A_83 : vector<16xi1>, vector<16xi32>
      %select_n3A_95 = arith.select %gt3A_88, %select_n3A_87, %select_n3A_94 : vector<16xi1>, vector<16xi32>
      %select_n3A_96 = arith.select %gt3A_88, %get3A_34, %select_n3A_84 : vector<16xi1>, vector<16xf32>
      %jit3A_97 = arith.constant 4 : i32
      %broadcast_in_dim3A_98 = vector.broadcast %jit3A_97 : i32 to vector<16xi32>
      %select_n3A_99 = arith.select %gt3A_88, %broadcast_in_dim3A_98, %select_n3A_87 : vector<16xi1>, vector<16xi32>
      %gt3A_100 = arith.cmpf ogt, %get3A_39, %select_n3A_96 : vector<16xf32>
      %gt3A_101 = arith.cmpf ogt, %get3A_39, %select_n3A_91 : vector<16xf32>
      %select_n3A_102 = arith.select %gt3A_101, %get3A_39, %select_n3A_91 : vector<16xi1>, vector<16xf32>
      %select_n3A_103 = arith.select %gt3A_100, %select_n3A_96, %select_n3A_102 : vector<16xi1>, vector<16xf32>
      %jit3A_104 = arith.constant 5 : i32
      %broadcast_in_dim3A_105 = vector.broadcast %jit3A_104 : i32 to vector<16xi32>
      %select_n3A_106 = arith.select %gt3A_101, %broadcast_in_dim3A_105, %select_n3A_95 : vector<16xi1>, vector<16xi32>
      %select_n3A_107 = arith.select %gt3A_100, %select_n3A_99, %select_n3A_106 : vector<16xi1>, vector<16xi32>
      %select_n3A_108 = arith.select %gt3A_100, %get3A_39, %select_n3A_96 : vector<16xi1>, vector<16xf32>
      %jit3A_109 = arith.constant 5 : i32
      %broadcast_in_dim3A_110 = vector.broadcast %jit3A_109 : i32 to vector<16xi32>
      %select_n3A_111 = arith.select %gt3A_100, %broadcast_in_dim3A_110, %select_n3A_99 : vector<16xi1>, vector<16xi32>
      %gt3A_112 = arith.cmpf ogt, %get3A_44, %select_n3A_108 : vector<16xf32>
      %gt3A_113 = arith.cmpf ogt, %get3A_44, %select_n3A_103 : vector<16xf32>
      %select_n3A_114 = arith.select %gt3A_113, %get3A_44, %select_n3A_103 : vector<16xi1>, vector<16xf32>
      %select_n3A_115 = arith.select %gt3A_112, %select_n3A_108, %select_n3A_114 : vector<16xi1>, vector<16xf32>
      %jit3A_116 = arith.constant 6 : i32
      %broadcast_in_dim3A_117 = vector.broadcast %jit3A_116 : i32 to vector<16xi32>
      %select_n3A_118 = arith.select %gt3A_113, %broadcast_in_dim3A_117, %select_n3A_107 : vector<16xi1>, vector<16xi32>
      %select_n3A_119 = arith.select %gt3A_112, %select_n3A_111, %select_n3A_118 : vector<16xi1>, vector<16xi32>
      %select_n3A_120 = arith.select %gt3A_112, %get3A_44, %select_n3A_108 : vector<16xi1>, vector<16xf32>
      %jit3A_121 = arith.constant 6 : i32
      %broadcast_in_dim3A_122 = vector.broadcast %jit3A_121 : i32 to vector<16xi32>
      %select_n3A_123 = arith.select %gt3A_112, %broadcast_in_dim3A_122, %select_n3A_111 : vector<16xi1>, vector<16xi32>
      %gt3A_124 = arith.cmpf ogt, %get3A_49, %select_n3A_120 : vector<16xf32>
      %gt3A_125 = arith.cmpf ogt, %get3A_49, %select_n3A_115 : vector<16xf32>
      %select_n3A_126 = arith.select %gt3A_125, %get3A_49, %select_n3A_115 : vector<16xi1>, vector<16xf32>
      %select_n3A_127 = arith.select %gt3A_124, %select_n3A_120, %select_n3A_126 : vector<16xi1>, vector<16xf32>
      %jit3A_128 = arith.constant 7 : i32
      %broadcast_in_dim3A_129 = vector.broadcast %jit3A_128 : i32 to vector<16xi32>
      %select_n3A_130 = arith.select %gt3A_125, %broadcast_in_dim3A_129, %select_n3A_119 : vector<16xi1>, vector<16xi32>
      %select_n3A_131 = arith.select %gt3A_124, %select_n3A_123, %select_n3A_130 : vector<16xi1>, vector<16xi32>
      %select_n3A_132 = arith.select %gt3A_124, %get3A_49, %select_n3A_120 : vector<16xi1>, vector<16xf32>
      %jit3A_133 = arith.constant 7 : i32
      %broadcast_in_dim3A_134 = vector.broadcast %jit3A_133 : i32 to vector<16xi32>
      %select_n3A_135 = arith.select %gt3A_124, %broadcast_in_dim3A_134, %select_n3A_123 : vector<16xi1>, vector<16xi32>
      %sub3A = arith.subf %get3A_14, %select_n3A_132 : vector<16xf32>
      %exp3A = math.exp %sub3A : vector<16xf32>
      %sub3A_136 = arith.subf %get3A_19, %select_n3A_132 : vector<16xf32>
      %exp3A_137 = math.exp %sub3A_136 : vector<16xf32>
      %add3A_138 = arith.addf %exp3A, %exp3A_137 : vector<16xf32>
      %sub3A_139 = arith.subf %get3A_24, %select_n3A_132 : vector<16xf32>
      %exp3A_140 = math.exp %sub3A_139 : vector<16xf32>
      %add3A_141 = arith.addf %add3A_138, %exp3A_140 : vector<16xf32>
      %sub3A_142 = arith.subf %get3A_29, %select_n3A_132 : vector<16xf32>
      %exp3A_143 = math.exp %sub3A_142 : vector<16xf32>
      %add3A_144 = arith.addf %add3A_141, %exp3A_143 : vector<16xf32>
      %sub3A_145 = arith.subf %get3A_34, %select_n3A_132 : vector<16xf32>
      %exp3A_146 = math.exp %sub3A_145 : vector<16xf32>
      %add3A_147 = arith.addf %add3A_144, %exp3A_146 : vector<16xf32>
      %sub3A_148 = arith.subf %get3A_39, %select_n3A_132 : vector<16xf32>
      %exp3A_149 = math.exp %sub3A_148 : vector<16xf32>
      %add3A_150 = arith.addf %add3A_147, %exp3A_149 : vector<16xf32>
      %sub3A_151 = arith.subf %get3A_44, %select_n3A_132 : vector<16xf32>
      %exp3A_152 = math.exp %sub3A_151 : vector<16xf32>
      %add3A_153 = arith.addf %add3A_150, %exp3A_152 : vector<16xf32>
      %sub3A_154 = arith.subf %get3A_49, %select_n3A_132 : vector<16xf32>
      %exp3A_155 = math.exp %sub3A_154 : vector<16xf32>
      %add3A_156 = arith.addf %add3A_153, %exp3A_155 : vector<16xf32>
      %div3A = arith.constant 1.000000e+00 : f32
      %div3A_157 = vector.broadcast %div3A : f32 to vector<16xf32>
      %div3A_158 = arith.divf %div3A_157, %add3A_156 : vector<16xf32>
      %swap3A = arith.constant 0 : i32
      %swap3A_159 = arith.index_cast %swap3A : i32 to index
      %swap3A_160 = arith.index_cast %mul3A_10 : i32 to index
      %swap3A_161 = tpu.vector_load %arg6[%swap3A_159, %swap3A_160] {strides = array<i32>} : memref<2x1024xf32, #tpu.memory_space<vmem>>, vector<1x16xf32>,
      %swap3A_162 = vector.shape_cast %swap3A_161 : vector<1x16xf32> to vector<16xf32>
      %swap3A_163 = vector.shape_cast %div3A_158 : vector<16xf32> to vector<1x16xf32>
      tpu.vector_store %arg6[%swap3A_159, %swap3A_160], %swap3A_163 {strides = array<i32>} : memref<2x1024xf32, #tpu.memory_space<vmem>>, vector<1x16xf32>,
      %sub3A_164 = arith.subf %select_n3A_127, %select_n3A_132 : vector<16xf32>
      %exp3A_165 = math.exp %sub3A_164 : vector<16xf32>
      %div3A_166 = arith.divf %exp3A_165, %add3A_156 : vector<16xf32>
      %swap3A_167 = arith.constant 1 : i32
      %swap3A_168 = arith.index_cast %swap3A_167 : i32 to index
      %swap3A_169 = arith.index_cast %mul3A_10 : i32 to index
      %swap3A_170 = tpu.vector_load %arg6[%swap3A_168, %swap3A_169] {strides = array<i32>} : memref<2x1024xf32, #tpu.memory_space<vmem>>, vector<1x16xf32>,
      %swap3A_171 = vector.shape_cast %swap3A_170 : vector<1x16xf32> to vector<16xf32>
      %swap3A_172 = vector.shape_cast %div3A_166 : vector<16xf32> to vector<1x16xf32>
      tpu.vector_store %arg6[%swap3A_168, %swap3A_169], %swap3A_172 {strides = array<i32>} : memref<2x1024xf32, #tpu.memory_space<vmem>>, vector<1x16xf32>,
      %swap3A_173 = arith.constant 0 : i32
      %swap3A_174 = arith.index_cast %swap3A_173 : i32 to index
      %swap3A_175 = arith.index_cast %mul3A_10 : i32 to index
      %swap3A_176 = tpu.vector_load %arg7[%swap3A_174, %swap3A_175] {strides = array<i32>} : memref<2x1024xi32, #tpu.memory_space<vmem>>, vector<1x16xi32>,
      %swap3A_177 = vector.shape_cast %swap3A_176 : vector<1x16xi32> to vector<16xi32>
      %swap3A_178 = vector.shape_cast %select_n3A_135 : vector<16xi32> to vector<1x16xi32>
      tpu.vector_store %arg7[%swap3A_174, %swap3A_175], %swap3A_178 {strides = array<i32>} : memref<2x1024xi32, #tpu.memory_space<vmem>>, vector<1x16xi32>,
      %swap3A_179 = arith.constant 1 : i32
      %swap3A_180 = arith.index_cast %swap3A_179 : i32 to index
      %swap3A_181 = arith.index_cast %mul3A_10 : i32 to index
      %swap3A_182 = tpu.vector_load %arg7[%swap3A_180, %swap3A_181] {strides = array<i32>} : memref<2x1024xi32, #tpu.memory_space<vmem>>, vector<1x16xi32>,
      %swap3A_183 = vector.shape_cast %swap3A_182 : vector<1x16xi32> to vector<16xi32>
      %swap3A_184 = vector.shape_cast %select_n3A_131 : vector<16xi32> to vector<1x16xi32>
      tpu.vector_store %arg7[%swap3A_180, %swap3A_181], %swap3A_184 {strides = array<i32>} : memref<2x1024xi32, #tpu.memory_space<vmem>>, vector<1x16xi32>,
    }
    %scan3A_7 = arith.constant 64 : i32
    "tpu.region"() ({
      %run_scoped3A = tpu.sem_alloc : memref<!tpu.dma_semaphore, #tpu.memory_space<semaphore_mem>>
      %dma_start3A = arith.constant 0 : i32
      %dma_start3A_8 = tpu.memref_slice %arg3[%dma_start3A, %mul3A_2] : memref<2x32768xf32, #tpu.memory_space<hbm>> -> memref<2x1024xf32, #tpu.memory_space<hbm>>
      %dma_start3A_9 = arith.constant 0 : i32
      %dma_start3A_10 = tpu.memref_slice %arg3[%dma_start3A_9, %mul3A_2] : memref<2x32768xf32, #tpu.memory_space<hbm>> -> memref<2x1024xf32, #tpu.memory_space<hbm>>
      tpu.enqueue_dma source(%arg6 : memref<2x1024xf32, #tpu.memory_space<vmem>>) target(%dma_start3A_10 : memref<2x1024xf32, #tpu.memory_space<hbm>>) target_semaphore(%run_scoped3A : memref<!tpu.dma_semaphore, #tpu.memory_space<semaphore_mem>>)
      %dma_wait3A = arith.constant 0 : i32
      %dma_wait3A_11 = tpu.memref_slice %arg3[%dma_wait3A, %mul3A_2] : memref<2x32768xf32, #tpu.memory_space<hbm>> -> memref<2x1024xf32, #tpu.memory_space<hbm>>
      %dma_wait3A_12 = arith.constant 0 : i32
      %dma_wait3A_13 = tpu.memref_slice %arg3[%dma_wait3A_12, %mul3A_2] : memref<2x32768xf32, #tpu.memory_space<hbm>> -> memref<2x1024xf32, #tpu.memory_space<hbm>>
      tpu.wait_dma2 semaphore(%run_scoped3A : memref<!tpu.dma_semaphore, #tpu.memory_space<semaphore_mem>>) src(%arg6 : memref<2x1024xf32, #tpu.memory_space<vmem>>) dst(%dma_wait3A_13 : memref<2x1024xf32, #tpu.memory_space<hbm>>)
      tpu.yield
    }) : () -> ()
    "tpu.region"() ({
      %run_scoped3A = tpu.sem_alloc : memref<!tpu.dma_semaphore, #tpu.memory_space<semaphore_mem>>
      %dma_start3A = arith.constant 0 : i32
      %dma_start3A_8 = tpu.memref_slice %arg4[%dma_start3A, %mul3A_2] : memref<2x32768xi32, #tpu.memory_space<hbm>> -> memref<2x1024xi32, #tpu.memory_space<hbm>>
      %dma_start3A_9 = arith.constant 0 : i32
      %dma_start3A_10 = tpu.memref_slice %arg4[%dma_start3A_9, %mul3A_2] : memref<2x32768xi32, #tpu.memory_space<hbm>> -> memref<2x1024xi32, #tpu.memory_space<hbm>>
      tpu.enqueue_dma source(%arg7 : memref<2x1024xi32, #tpu.memory_space<vmem>>) target(%dma_start3A_10 : memref<2x1024xi32, #tpu.memory_space<hbm>>) target_semaphore(%run_scoped3A : memref<!tpu.dma_semaphore, #tpu.memory_space<semaphore_mem>>)
      %dma_wait3A = arith.constant 0 : i32
      %dma_wait3A_11 = tpu.memref_slice %arg4[%dma_wait3A, %mul3A_2] : memref<2x32768xi32, #tpu.memory_space<hbm>> -> memref<2x1024xi32, #tpu.memory_space<hbm>>
      %dma_wait3A_12 = arith.constant 0 : i32
      %dma_wait3A_13 = tpu.memref_slice %arg4[%dma_wait3A_12, %mul3A_2] : memref<2x32768xi32, #tpu.memory_space<hbm>> -> memref<2x1024xi32, #tpu.memory_space<hbm>>
      tpu.wait_dma2 semaphore(%run_scoped3A : memref<!tpu.dma_semaphore, #tpu.memory_space<semaphore_mem>>) src(%arg7 : memref<2x1024xi32, #tpu.memory_space<vmem>>) dst(%dma_wait3A_13 : memref<2x1024xi32, #tpu.memory_space<hbm>>)
      tpu.yield
    }) : () -> ()
    return
  }
}

module attributes {stable_mosaic.version = 14 : i64} {
  func.func @_scores_body(%arg0: i32, %arg1: memref<4096x768xf32, #tpu.memory_space<vmem>>, %arg2: memref<8x768xf32, #tpu.memory_space<vmem>>, %arg3: memref<8x4096xf32, #tpu.memory_space<vmem>>) attributes {dimension_semantics = [#tpu.dimension_semantics<arbitrary>], iteration_bounds = array<i64: 8>, scalar_prefetch = 0 : i64, scratch_operands = 0 : i64, tpu.core_type = #tpu.core_type<tc>, window_params = [{transform_indices = @transform_0, window_bounds = array<i64: 4096, 768>}, {pipeline_mode = #tpu.pipeline_mode<synchronous>, transform_indices = @transform_1, window_bounds = array<i64: 8, 768>}, {transform_indices = @transform_2, window_bounds = array<i64: 8, 4096>}]} {
    %get3A = arith.constant 0 : index
    %get3A_0 = arith.constant 0 : index
    %get3A_1 = vector.load %arg2[%get3A, %get3A_0] : memref<8x768xf32, #tpu.memory_space<vmem>>, vector<8x768xf32>
    %get3A_2 = arith.constant 0 : index
    %get3A_3 = arith.constant 0 : index
    %get3A_4 = vector.load %arg1[%get3A_2, %get3A_3] : memref<4096x768xf32, #tpu.memory_space<vmem>>, vector<4096x768xf32>
    %dot_general3A = arith.constant dense<0.000000e+00> : vector<8x4096xf32>
    %dot_general3A_5 = tpu.matmul %get3A_1, %get3A_4, %dot_general3A {dimension_numbers = #tpu.dot_dimension_numbers<[1], [1], [0], [0], [0, 0, 1, 0], [], []>, transpose_lhs_hint = false} : vector<8x768xf32>, vector<4096x768xf32>, vector<8x4096xf32> -> vector<8x4096xf32>
    %swap3A = arith.constant 0 : index
    %swap3A_6 = arith.constant 0 : index
    %swap3A_7 = vector.load %arg3[%swap3A, %swap3A_6] : memref<8x4096xf32, #tpu.memory_space<vmem>>, vector<8x4096xf32>
    tpu.vector_store %arg3[%swap3A, %swap3A_6], %dot_general3A_5 {strides = array<i32>} : memref<8x4096xf32, #tpu.memory_space<vmem>>, vector<8x4096xf32>,
    return
  }
  func.func @transform_0(%arg0: i32) -> (i32, i32) {
    %c0_i32 = arith.constant 0 : i32
    %c0_i32_0 = arith.constant 0 : i32
    return %arg0, %c0_i32 : i32, i32
  }
  func.func @transform_1(%arg0: i32) -> (i32, i32) {
    %c0_i32 = arith.constant 0 : i32
    %c0_i32_0 = arith.constant 0 : i32
    %c0_i32_1 = arith.constant 0 : i32
    return %c0_i32, %c0_i32_0 : i32, i32
  }
  func.func @transform_2(%arg0: i32) -> (i32, i32) {
    %c0_i32 = arith.constant 0 : i32
    %c0_i32_0 = arith.constant 0 : i32
    return %c0_i32, %arg0 : i32, i32
  }
}

</mosaic_0001>

<sc_bundles>
// kernel: kernel.4.cloned.1.call-start
scs
__scs_entry_jumppad:
0x0: {  	(pc) =	sbr.rel $0x88, $3  }
0x1: {  	(tag) =	ssettag $0x0;
	lr =	simm.s32 $0x1  }
0x2: {  	[smem:$0x3F9F] =	sst lr;
	_ =	strace $0xD0000000  }
0x3: {  	_ = 	snop  }
0x4: {  	_ = 	snop  }
0x5: {  	_ = 	snop  }
0x6: {  	_ = 	snop  }
0x7: {  	_ = 	snop  }
__scs_overlays_trampoline_lowered:
0x8: {  	[smem:$0x3FAE] =	sst s0  }
0x9: {  	[smem:$0x3FAF] =	sst s1  }
0xa: {  	[smem:$0x3FB0] =	sst s2  }
0xb: {  	[smem:$0x3FB1] =	sst s3  }
0xc: {  	[smem:$0x3FB2] =	sst s4  }
0xd: {  	[smem:$0x3FB3] =	sst s5  }
0xe: {  	[smem:$0x3FB4] =	sst s6  }
0xf: {  	[smem:$0x3FB5] =	sst s7  }
0x10: {  	[smem:$0x3FB6] =	sst s8  }
0x11: {  	[smem:$0x3FB7] =	sst s9;
	s0 =	simm.s32 @!p0 $0x0  }
0x12: {  	s1 =	sld [smem:$0x3F9D];
	s0 =	simm.s32 @p0 $0x1  }
0x13: {  	[smem:$0x3FB8] =	sst s0;
	s0 =	simm.s32 @!p1 $0x0  }
0x14: {  	s2 =	sld [smem:$0x3F9C];
	s0 =	simm.s32 @p1 $0x1  }
0x15: {  	[smem:$0x3FB9] =	sst s0;
	s0 =	simm.s32 @!p2 $0x0  }
0x16: {  	s3 =	sld [smem:$0x3FDB];
	s0 =	simm.s32 @p2 $0x1  }
0x17: {  	s4 =	simm.s32 $0x1BF5;
	[smem:$0x3FBB] =	sst s0  }
0x18: {  	s0 =	sld [smem:$0x3F9E];
	_ =	swait.ge [sflag:s4], $0x0  }
0x19: {  	s7 =	sld [smem:$0x3F9F]  }
0x1a: {  	s8 =	sadd.s32 $0xFFFFE003, lr  }
0x1b: {  	s9 =	sadd.s32 $0xFFFFFEF7, lr;
	s5 =	simm.s32 $0xFFFFFFFF;
	p2 =	slt.u32 s8, $0xFFFFF086  }
0x1c: {  	p1 =	slt.u32 s9, $0xF7A;
	s5 =	simm.s32 @!p2 $0x0  }
0x1d: {  	s5 =	simm.s32 @p1 $0x1;
	p0 =	seq.s32 s7, s2  }
0x1e: {  	s7 =	smul.u32 @!p0 $0xF7A, s2;
	p2 =	seq.s32 @!p0 s5, $0x0  }
0x1f: {  	s9 =	smul.u32 $0xF7A, s1;
	s8 =	simm.s32 @!p0 $0x1BF5;
	p2 =	por !p2, p0  }
0x20: {  	[sflag:s8] =	ssyncset.s32 @!p0 $0xFFFFF086;
	s6 =	sadd.s32 @!p0 s3, s7;
	s7 =	simm.s32 @!p0 $0x108  }
0x21: {  	s3 =	sadd.s32 s3, s9;
	s6 =	sadd.s32 @!p0 $0x88, s6;
	s7 =	simm.s32 @p2 $0x1082  }
0x22: {  	[simem:s7], [sflag:s8] =	dma.local @!p0 [hbm:s6], $0xF7A  }
0x23: {  	s9 =	sor.u32 $0xD0000000, s2;
	s6 =	simm.s32 $0x108;
	_ =	swait.ge @!p0 [sflag:s8], $0x0  }
0x24: {  	s3 =	sadd.s32 $0x88, s3;
	s6 =	simm.s32 @!p1 $0x1082;
	[sflag:s4] =	ssyncset.s32 $0xFFFFF086  }
0x25: {  	[simem:s6], [sflag:s4] =	dma.local [hbm:s3], $0xF7A  }
0x26: {  	[smem:$0x3F9F] =	sst s1;
	(tag) =	ssettag s2;
	_ =	strace s9  }
0x27: {  	s1 =	sld [smem:$0x3FAF]  }
0x28: {  	s2 =	sld [smem:$0x3FB0]  }
0x29: {  	s4 =	sld [smem:$0x3FB2]  }
0x2a: {  	p0 =	seq.s32 s5, $0x0;
	s5 =	sld [smem:$0x3FB3]  }
0x2b: {  	s6 =	sld [smem:$0x3FB4]  }
0x2c: {  	s7 =	sld [smem:$0x3FB5]  }
0x2d: {  	s3 =	simm.s32 $0x108;
	s8 =	sld [smem:$0x3FB6]  }
0x2e: {  	s3 =	simm.s32 @!p0 $0x1082;
	s9 =	sld [smem:$0x3FB7]  }
0x2f: {  	lr =	sadd.s32 s0, s3;
	s0 =	sld [smem:$0x3FAE]  }
0x30: {  	s3 =	sld [smem:$0x3FB1]  }
0x31: {  	[smem:$0x3FBA] =	sst s10  }
0x32: {  	s10 =	sld [smem:$0x3FB8];
	_ =	sdelay $0x3  }
0x33: {  	p0 =	seq.s32 s10, $0x1;
	s10 =	sld [smem:$0x3FBA];
	_ =	sdelay $0x3  }
0x34: {  	[smem:$0x3FBA] =	sst s10  }
0x35: {  	s10 =	sld [smem:$0x3FB9];
	_ =	sdelay $0x3  }
0x36: {  	p1 =	seq.s32 s10, $0x1;
	s10 =	sld [smem:$0x3FBA];
	_ =	sdelay $0x3  }
0x37: {  	[smem:$0x3FBA] =	sst s10  }
0x38: {  	s10 =	sld [smem:$0x3FBB]  }
0x39: {  	_ = 	snop;
	(pc) =	sbr.ind lr, $3  }
0x3a: {  	_ = 	snop  }
0x3b: {  	_ = 	snop  }
0x3c: {  	p2 =	seq.s32 s10, $0x1;
	s10 =	sld [smem:$0x3FBA]  }
0x3d: {  	_ =	shalt  }
0x3e: {  	_ =	shalt  }
0x3f: {  	_ =	shalt  }
0x40: {  	_ =	shalt  }
0x41: {  	_ =	shalt  }
0x42: {  	_ =	shalt  }
0x43: {  	_ =	shalt  }
0x44: {  	_ =	shalt  }
0x45: {  	_ =	shalt  }
0x46: {  	_ =	shalt  }
0x47: {  	_ =	shalt  }
0x48: {  	_ =	shalt  }
0x49: {  	_ =	shalt  }
0x4a: {  	_ =	shalt  }
0x4b: {  	_ =	shalt  }
0x4c: {  	_ =	shalt  }
0x4d: {  	_ =	shalt  }
0x4e: {  	_ =	shalt  }
0x4f: {  	_ =	shalt  }
0x50: {  	_ =	shalt  }
0x51: {  	_ =	shalt  }
0x52: {  	_ =	shalt  }
0x53: {  	_ =	shalt  }
0x54: {  	_ =	shalt  }
0x55: {  	_ =	shalt  }
0x56: {  	_ =	shalt  }
0x57: {  	_ =	shalt  }
0x58: {  	_ =	shalt  }
0x59: {  	_ =	shalt  }
0x5a: {  	_ =	shalt  }
0x5b: {  	_ =	shalt  }
0x5c: {  	_ =	shalt  }
0x5d: {  	_ =	shalt  }
0x5e: {  	_ =	shalt  }
0x5f: {  	_ =	shalt  }
0x60: {  	_ =	shalt  }
0x61: {  	_ =	shalt  }
0x62: {  	_ =	shalt  }
0x63: {  	_ =	shalt  }
0x64: {  	_ =	shalt  }
0x65: {  	_ =	shalt  }
0x66: {  	_ =	shalt  }
0x67: {  	_ =	shalt  }
0x68: {  	_ =	shalt  }
0x69: {  	_ =	shalt  }
0x6a: {  	_ =	shalt  }
0x6b: {  	_ =	shalt  }
0x6c: {  	_ =	shalt  }
0x6d: {  	_ =	shalt  }
0x6e: {  	_ =	shalt  }
0x6f: {  	_ =	shalt  }
0x70: {  	_ =	shalt  }
0x71: {  	_ =	shalt  }
0x72: {  	_ =	shalt  }
0x73: {  	_ =	shalt  }
0x74: {  	_ =	shalt  }
0x75: {  	_ =	shalt  }
0x76: {  	_ =	shalt  }
0x77: {  	_ =	shalt  }
0x78: {  	_ =	shalt  }
0x79: {  	_ =	shalt  }
0x7a: {  	_ =	shalt  }
0x7b: {  	_ =	shalt  }
0x7c: {  	_ =	shalt  }
0x7d: {  	_ =	shalt  }
0x7e: {  	_ =	shalt  }
0x7f: {  	_ =	shalt  }
0x80: {  	_ =	shalt  }
0x81: {  	_ =	shalt  }
0x82: {  	_ =	shalt  }
0x83: {  	_ =	shalt  }
0x84: {  	_ =	shalt  }
0x85: {  	_ =	shalt  }
0x86: {  	_ =	shalt  }
0x87: {  	_ =	shalt  }
.Lfunc_end0:
.L_simem_size_0:
called_computation_lowered:
.L_overlay_start_0:
0x88: {  	s2 =	sld [smem:$0x3FD9]  }
0x89: {  	s3 =	sld [smem:$0x3FFE];
	_ =	sdelay $0x1  }
0x8a: {  	s1 =	srdreg.scid  }
0x8b: {  	s0 =	sand.u32 $0x1, s1  }
0x8c: {  	s14 =	sshll.u32 s0, $0xA;
	s2 =	sadd.s32 s3, s2  }
0x8d: {  	s2 =	sadd.s32 s2, s14  }
0x8e: {  	[smem:$0x3FC6] =	sst s2  }
0x8f: {  	_ = 	snop  }
0x90: {  	s2 =	sld [smem:$0x3FD0];
	_ =	sdelay $0x2  }
0x91: {  	s15 =	simm.s32 $0xA;
	s4 =	simm.s32 $0x10  }
0x92: {  	[smem:s4], [sflag:s15] =	dma.local [hbm:s2], $0x1  }
0x93: {  	_ =	swait.eq [sflag:s15], $0x1  }
0x94: {  	[sflag:s15] =	ssyncset.done $0x0  }
0x95: {  	s16 =	sld [smem:$0x10];
	[sflag:s15] =	ssyncadd.s32 $0xFFFFFFFF  }
0x96: {  	s17 =	sld [smem:$0x11];
	(tm) =	ssettm $0x1  }
0x97: {  	s18 =	sld [smem:$0x3FFB];
	_ =	sdelay $0x3  }
0x98: {  	_ =	strace s18  }
0x99: {  	s4 =	sld [smem:$0x3FFC];
	_ =	sdelay $0x3  }
0x9a: {  	_ =	strace s4  }
0x9b: {  	s4 =	sld [smem:$0x3FFD];
	_ =	sdelay $0x3  }
0x9c: {  	_ =	strace s4  }
0x9d: {  	_ =	strace $0x8FFFFFFF  }
0x9e: {  	s19 =	sld [smem:$0x3FDB];
	_ =	sdelay $0x1  }
0x9f: {  	s5 =	simm.s32 $_scs_section_size  }
0xa0: {  	s6 =	simm.s32 $_size__tile_overlayer_lowered;
	s7 =	simm.s32 $_tile_overlayer_lowered  }
0xa1: {  	s22 =	simm.s32 $0x1BFF;
	s21 =	sshll.u32 s7, $0x1;
	s4 =	sadd.s32 s5, s19  }
0xa2: {  	s8 =	simm.s32 $0x0;
	s20 =	sshll.u32 s6, $0x1;
	s6 =	sadd.s32 s21, s4  }
0xa3: {  	[timem:s8], [sflag:s22] =	dma.local [hbm:s6], s20  }
0xa4: {  	_ =	swait.ge [sflag:s22], s20  }
0xa5: {  	s5 =	ssub.s32 $0x0, s20;
	[sflag:s22] =	ssyncset.done $0x0  }
0xa6: {  	[sflag:s22] =	ssyncadd.s32 s5;
	_ =	sdelay $0x1  }
0xa7: {  	s23 =	simm.s32 $0x1B8B  }
0xa8: {  	_ =	swait.ge [sflag:s23], $0x1  }
0xa9: {  	[sflag:s23] =	ssyncset.done $0x0  }
0xaa: {  	s25 =	simm.s32 $0x1B8E;
	s24 =	sld [smem:$0x3FFE];
	[sflag:s23] =	ssyncadd.s32 $0xFFFFFFFF  }
0xab: {  	s26 =	simm.s32 $execute0_lowered;
	[smem:$0x3FD2] =	sst s25  }
0xac: {  	s6 =	sshll.u32 s26, $0x1;
	_ =	strace $0x80000046;
	[dreg:$0x1] =	wrdreg $0xFFFFFFFF  }
0xad: {  	s28 =	simm.s32 $_size_execute0_lowered;
	s4 =	sadd.s32 s4, s6;
	[dreg:$0x0] =	wrdreg $0x0  }
0xae: {  	s6 =	sshll.u32 s28, $0x1;
	[dreg:$0x2] =	wrdreg s4  }
0xaf: {  	[dreg:$0x3] =	wrdreg s6  }
0xb0: {  	[dreg:$0x4] =	wrdreg $0xC0  }
0xb1: {  	_ =	task [dreg:s8], $0x5FFFF  }
0xb2: {  	[dreg:$0x1] =	wrdreg $0xFFFFFFFF  }
0xb3: {  	[dreg:$0x0] =	wrdreg $0x60  }
0xb4: {  	[dreg:$0x2] =	wrdreg s24  }
0xb5: {  	[dreg:$0x3] =	wrdreg s16  }
0xb6: {  	[dreg:$0x4] =	wrdreg s17  }
0xb7: {  	[dreg:$0x5] =	wrdreg $0x9  }
0xb8: {  	_ =	task.clear_ibuf [dreg:s8], $0x6FFFF;
	_ =	strace $0x90000046  }
0xb9: {  	s29 =	simm.s32 $0x9;
	_ =	strace $0x80000048  }
0xba: {  	_ =	swait.ge [sflag:s29], $0x1  }
0xbb: {  	[sflag:s29] =	ssyncadd.s32 $0xFFFFFFFF  }
0xbc: {  	_ =	strace $0x90000048  }
0xbd: {  	_ =	sfence  }
0xbe: {  	s30 =	sld [smem:$0x0];
	_ =	sdelay $0x2  }
0xbf: {  	s31 =	sshll.u32 s1, $0xD;
	s1 =	sshrl.u32 s1, $0x2  }
0xc0: {  	s3 =	sand.u32 $0x4000, s31;
	s1 =	sadd.s32 s1, s30  }
0xc1: {  	s0 =	sor.u32 s3, s0;
	s1 =	sshll.u32 s1, $0x11  }
0xc2: {  	s0 =	sor.u32 s1, s0  }
0xc3: {  	s0 =	sadd.s32 $0x8F2B, s0  }
0xc4: {  	[sflag:s0] =	ssyncadd.remote.s32 $0x1  }
0xc5: {  	_ =	sfence.sel $0xFFFF  }
0xc6: {  	[dreg:$0x0] =	wrdreg $0xFFFFFFFF;
	(pc) =	sbr.abs _section_cstart, $3  }
0xc7: {  	[dreg:$0x1] =	wrdreg $0xFFFFFFFF  }
0xc8: {  	_ =	task.clear_ibuf [dreg:s8], $0x2FFFF;
	_ =	strace $0x9FFFFFFF  }
0xc9: {  	(tm) =	ssettm $0x7FFFFFFF  }
tec
execute0_lowered:
.L_overlay_start_1:
0x0: {  	(tag) =	ssettag $0x1  }
0x1: {  	s3 =	rddreg [dreg:$0x0]  }
0x2: {  	s4 =	rddreg [dreg:$0x1]  }
0x3: {  	s5 =	rddreg [dreg:$0x2]  }
0x4: {  	s0 =	rddreg [dreg:$0x3];
	s6 =	srdreg.scid  }
0x5: {  	s2 =	simm.s32 $0x0;
	s1 =	stileid.u32;
	s9 =	simm.s32 $0x2800  }
0x6: {  	s10 =	simm.s32 $0x0;
	s6 =	sand.u32 $0x1, s6;
	[smem:$0x7FF] =	sst s2  }
0x7: {  	s7 =	sshll.u32 s1, $0xB;
	s8 =	sshll.u32 s6, $0xA;
	s6 =	ssub.s32 $0x2, s6  }
0x8: {  	_ =	strace $0x80000047;
	s7 =	sor.u32 s8, s7;
	s31 =	sshrl.u32 s6, $0x1  }
0x9: {  	s8 =	simm.s32 $0x2000;
	s3 =	sadd.s32 s7, s3;
	s7 =	sshrl.u32 s7, $0x2  }
0xa: {  	s6 =	ssub.s32 s6, s31;
	s3 =	sadd.s32 $0xC00, s3;
	s4 =	sadd.s32 s4, s7  }
0xb: {  	v0 =	vimm.s32 $0x0;
	s5 =	sadd.s32 s5, s7;
	s6 =	smax.u32 s6, $0x1;
	s7 =	simm.s32 $0x1  }
.LBB2_1:
0xc: {  	[tilespmem:s2], [sflag:$0x1] =	stream.linear.gather [hbm4b:s3+s2], $0x2000, $0x38;
	[tilespmem:$0x3000] =	vst v63  }
0xd: {  	s12 =	simm.s32 $0x0;
	_ =	swait.ge [sflag:s7], $0x2000  }
0xe: {  	s11 =	sand.u32 $0x70, s2;
	s12 =	sand.u32 $0x3FFFFC00, s12;
	[sflag:s7] =	ssyncset.done $0x0  }
0xf: {  	s12 =	sor.u32 s11, s12;
	[sflag:s7] =	ssyncadd.s32 $0xFFFFE000  }
0x10: {  	v1 =	vld [tilespmem:s12+$0x0]  }
0x11: {  	v2 =	vld [tilespmem:s12+$0x80];
	_ =	sdelay $0x2  }
0x12: {  	v3 =	vld [tilespmem:s12+$0x100];
	_ =	sdelay $0x1  }
0x13: {  	v4 =	vld [tilespmem:s12+$0x180];
	vm6 =	vgt.f32 v2, v1  }
0x14: {  	vm7 =	vmneg vm6  }
0x15: {  	v5 =	vld [tilespmem:s12+$0x200];
	v6 =	vsel vm7, v1, v2  }
0x16: {  	vm5 =	vgt.f32 v3, v6  }
0x17: {  	v7 =	vld [tilespmem:s12+$0x280];
	v8 =	vsel vm5, v3, v6  }
0x18: {  	vm4 =	vgt.f32 v4, v8  }
0x19: {  	v9 =	vld [tilespmem:s12+$0x300];
	v10 =	vsel vm4, v4, v8  }
0x1a: {  	vm2 =	vgt.f32 v5, v10  }
0x1b: {  	v11 =	vld [tilespmem:s12+$0x380];
	v12 =	vsel vm2, v5, v10  }
0x1c: {  	vm3 =	vgt.f32 v7, v12  }
0x1d: {  	vm0 =	vlt.f32 v2, $-Inf;
	vm1 =	vgt.f32 v2, $-Inf;
	v14 =	vsel vm3, v7, v12  }
0x1e: {  	vm13 =	vmor vm1, vm0;
	vm1 =	vgt.f32 v9, v14  }
0x1f: {  	v15 =	vsel vm1, v9, v14  }
0x20: {  	vm0 =	vgt.f32 v11, v15  }
0x21: {  	v13 =	vnsel vm13, $0xFF800000, v2;
	v52 =	vsel vm0, v11, v15  }
0x22: {  	v13 =	vsel vm7, v13, v1;
	v1 =	vsub.f32 v1, v52  }
0x23: {  	v2 =	vsub.f32 v2, v52  }
0x24: {  	v1 =	vmul.f32 $1.442695020e+00, v1  }
0x25: {  	vm9 =	vgt.f32 v3, v13;
	v2 =	vmul.f32 $1.442695020e+00, v2  }
0x26: {  	v13 =	vsel vm9, v3, v13;
	v3 =	vsub.f32 v3, v52;
	(erf) = vpow2.f32 v1  }
0x27: {  	(erf) = vpow2.f32 v2;
	v2 =	vsub.f32 v4, v52  }
0x28: {  	v3 =	vmul.f32 $1.442695020e+00, v3  }
0x29: {  	v6 =	vsel vm5, v6, v13;
	v2 =	vmul.f32 $1.442695020e+00, v2  }
0x2a: {  	v53 =	vsub.f32 v7, v52;
	(erf) = vpow2.f32 v3;
	v3 =	vsub.f32 v5, v52  }
0x2b: {  	vm8 =	vgt.f32 v4, v6;
	(erf) = vpow2.f32 v2  }
0x2c: {  	v6 =	vsel vm8, v4, v6;
	v2 =	vmul.f32 $1.442695020e+00, v3;
	v3 =	vmul.f32 $1.442695020e+00, v53  }
0x2d: {  	v6 =	vsel vm4, v8, v6  }
0x2e: {  	vm10 =	vgt.f32 v5, v6;
	(erf) = vpow2.f32 v2;
	v2 =	vsub.f32 v9, v52  }
0x2f: {  	v54 =	vsub.f32 v11, v52;
	v1 =	vsel vm10, v5, v6  }
0x30: {  	v1 =	vsel vm2, v10, v1;
	(erf) = vpow2.f32 v3;
	v3 =	vpop (erf);
	v2 =	vmul.f32 $1.442695020e+00, v2  }
0x31: {  	v4 =	vmul.f32 $1.442695020e+00, v54;
	vm11 =	vgt.f32 v7, v1;
	v56 =	vpop (erf)  }
0x32: {  	v1 =	vsel vm11, v7, v1;
	v3 =	vadd.f32 v56, v3;
	(erf) = vpow2.f32 v2  }
0x33: {  	v1 =	vsel vm3, v12, v1;
	v57 =	vpop (erf)  }
0x34: {  	vm12 =	vgt.f32 v9, v1;
	(erf) = vpow2.f32 v4;
	v3 =	vadd.f32 v3, v57  }
0x35: {  	v1 =	vsel vm12, v9, v1;
	v59 =	vpop (erf)  }
0x36: {  	v1 =	vsel vm1, v14, v1;
	v3 =	vadd.f32 v3, v59  }
0x37: {  	vm13 =	vmand vm7, vm13;
	vm15 =	vgt.f32 v11, v1;
	v60 =	vpop (erf)  }
0x38: {  	v55 =	vsel vm13, $0x1, v0;
	v1 =	vsel vm15, v11, v1;
	v3 =	vadd.f32 v3, v60  }
0x39: {  	v5 =	vsel vm9, $0x2, v55;
	v1 =	vsel vm0, v15, v1;
	v2 =	vsel vm6, $0x1, v0;
	v61 =	vpop (erf)  }
0x3a: {  	v1 =	vsub.f32 v1, v52;
	v5 =	vsel vm5, v2, v5;
	v3 =	vadd.f32 v3, v61  }
0x3b: {  	v2 =	vsel vm5, $0x2, v2;
	v58 =	vsel vm8, $0x3, v5;
	v62 =	vpop (erf)  }
0x3c: {  	v1 =	vmul.f32 $1.442695020e+00, v1;
	v4 =	vsel vm4, v2, v58;
	v3 =	vadd.f32 v3, v62  }
0x3d: {  	v2 =	vsel vm4, $0x3, v2;
	v4 =	vsel vm10, $0x4, v4;
	v63 =	vpop (erf)  }
0x3e: {  	(erf) = vpow2.f32 v1;
	v1 =	vsel vm2, v2, v4;
	v3 =	vadd.f32 v3, v63  }
0x3f: {  	v2 =	vsel vm2, $0x4, v2;
	v1 =	vsel vm11, $0x5, v1  }
0x40: {  	v1 =	vsel vm3, v2, v1;
	(erf) = vrcp.f32 v3  }
0x41: {  	v2 =	vsel vm3, $0x5, v2;
	v1 =	vsel vm12, $0x6, v1  }
0x42: {  	v1 =	vsel vm1, v2, v1  }
0x43: {  	s31 =	simm.s32 $0x0;
	v2 =	vsel vm1, $0x6, v2;
	v1 =	vsel vm15, $0x7, v1  }
0x44: {  	s12 =	sand.u32 $0xFFFFFF00, s31;
	v1 =	vsel vm0, v2, v1  }
0x45: {  	s16 =	sor.u32 s11, s12  }
0x46: {  	v2 =	vsel vm0, $0x7, v2;
	[tilespmem:s16+$0x2880] =	vst v1  }
0x47: {  	s14 =	simm.s32 $0x2;
	s11 =	simm.s32 $0x1;
	s12 =	simm.s32 $0x0;
	[tilespmem:s16+$0x2800] =	vst v2;
	v1 =	vpop (erf)  }
.LBB2_2:
0x48: {  	s17 =	sshll.u32 s11, $0x7  }
0x49: {  	s12 =	sadd.s32 $0x10, s12;
	v2 =	vpop (erf);
	s15 =	smov.u32 s14;
	s13 =	sadd.s32 $0x1, s14  }
0x4a: {  	p0 =	sne.s32 s14, $0x3F;
	s14 =	sand.u32 $0x70, s12;
	s17 =	sand.u32 $0x3FFFFC00, s17;
	[tilespmem:s16+$0x2000] =	vst v2;
	v1 =	vmul.f32 v2, v1  }
0x4b: {  	s17 =	sor.u32 s14, s17  }
0x4c: {  	[tilespmem:s16+$0x2080] =	vst v1  }
0x4d: {  	v1 =	vld [tilespmem:s17+$0x0]  }
0x4e: {  	v2 =	vld [tilespmem:s17+$0x80];
	_ =	sdelay $0x2  }
0x4f: {  	v3 =	vld [tilespmem:s17+$0x100];
	_ =	sdelay $0x1  }
0x50: {  	v4 =	vld [tilespmem:s17+$0x180];
	vm0 =	vgt.f32 v2, v1;
	vm1 =	vlt.f32 v2, $-Inf;
	vm2 =	vgt.f32 v2, $-Inf  }
0x51: {  	vm3 =	vmneg vm0;
	vm1 =	vmor vm2, vm1;
	v5 =	vsel vm0, $0x1, v0  }
0x52: {  	v6 =	vld [tilespmem:s17+$0x200];
	v7 =	vnsel vm1, $0xFF800000, v2;
	vm0 =	vmand vm3, vm1;
	v8 =	vsel vm3, v1, v2  }
0x53: {  	v7 =	vsel vm3, v7, v1;
	v9 =	vsel vm0, $0x1, v0;
	vm0 =	vgt.f32 v3, v8  }
0x54: {  	v10 =	vld [tilespmem:s17+$0x280];
	vm1 =	vgt.f32 v3, v7;
	v11 =	vsel vm0, v3, v8;
	v12 =	vsel vm0, $0x2, v5  }
0x55: {  	v7 =	vsel vm1, v3, v7;
	v9 =	vsel vm1, $0x2, v9;
	vm1 =	vgt.f32 v4, v11  }
0x56: {  	v13 =	vld [tilespmem:s17+$0x300];
	v7 =	vsel vm0, v8, v7;
	v5 =	vsel vm0, v5, v9;
	v8 =	vsel vm1, v4, v11  }
0x57: {  	v9 =	vsel vm1, $0x3, v12;
	vm0 =	vgt.f32 v4, v7;
	vm2 =	vgt.f32 v6, v8  }
0x58: {  	v14 =	vld [tilespmem:s17+$0x380];
	v7 =	vsel vm0, v4, v7;
	v5 =	vsel vm0, $0x3, v5;
	v15 =	vsel vm2, v6, v8  }
0x59: {  	v7 =	vsel vm1, v11, v7;
	v5 =	vsel vm1, v12, v5;
	vm3 =	vgt.f32 v10, v15  }
0x5a: {  	v11 =	vsel vm2, $0x4, v9;
	vm0 =	vgt.f32 v6, v7;
	v12 =	vsel vm3, v10, v15  }
0x5b: {  	v7 =	vsel vm0, v6, v7;
	v5 =	vsel vm0, $0x4, v5;
	vm1 =	vgt.f32 v13, v12  }
0x5c: {  	v7 =	vsel vm2, v8, v7;
	v5 =	vsel vm2, v9, v5;
	v8 =	vsel vm1, v13, v12  }
0x5d: {  	v9 =	vsel vm3, $0x5, v11;
	vm2 =	vgt.f32 v10, v7;
	vm0 =	vgt.f32 v14, v8  }
0x5e: {  	v7 =	vsel vm2, v10, v7;
	v5 =	vsel vm2, $0x5, v5;
	v16 =	vsel vm0, v14, v8  }
0x5f: {  	v7 =	vsel vm3, v15, v7;
	v1 =	vsub.f32 v1, v16;
	v4 =	vsub.f32 v4, v16  }
0x60: {  	v2 =	vsub.f32 v2, v16;
	v3 =	vsub.f32 v3, v16;
	vm2 =	vgt.f32 v13, v7  }
0x61: {  	v5 =	vsel vm3, v11, v5;
	v1 =	vmul.f32 $1.442695020e+00, v1;
	v4 =	vmul.f32 $1.442695020e+00, v4  }
0x62: {  	v6 =	vsub.f32 v6, v16;
	v10 =	vsub.f32 v10, v16;
	v2 =	vmul.f32 $1.442695020e+00, v2  }
0x63: {  	v11 =	vsub.f32 v13, v16;
	v3 =	vmul.f32 $1.442695020e+00, v3;
	(erf) = vpow2.f32 v1  }
0x64: {  	v1 =	vsel vm2, $0x6, v5;
	v5 =	vsub.f32 v14, v16;
	(erf) = vpow2.f32 v2  }
0x65: {  	v6 =	vmul.f32 $1.442695020e+00, v6;
	v2 =	vsel vm2, v13, v7;
	v7 =	vmul.f32 $1.442695020e+00, v11  }
0x66: {  	v2 =	vsel vm1, v12, v2;
	v5 =	vmul.f32 $1.442695020e+00, v5;
	(erf) = vpow2.f32 v3  }
0x67: {  	s16 =	sshll.u32 s11, $0x5;
	s11 =	smov.u32 s15;
	v1 =	vsel vm1, v9, v1;
	v3 =	vsel vm1, $0x6, v9;
	vm1 =	vgt.f32 v14, v2  }
0x68: {  	s15 =	sand.u32 $0xFFFFFF00, s16;
	v2 =	vsel vm1, v14, v2;
	v1 =	vsel vm1, $0x7, v1;
	(erf) = vpow2.f32 v4  }
0x69: {  	s16 =	sor.u32 s14, s15;
	v2 =	vsel vm0, v8, v2;
	v1 =	vsel vm0, v3, v1;
	v3 =	vsel vm0, $0x7, v3  }
0x6a: {  	v4 =	vmul.f32 $1.442695020e+00, v10;
	v8 =	vsub.f32 v2, v16;
	[tilespmem:s16+$0x2880] =	vst v1;
	(erf) = vpow2.f32 v6  }
0x6b: {  	[tilespmem:s16+$0x2800] =	vst v3  }
0x6c: {  	v1 =	vmul.f32 $1.442695020e+00, v8;
	v2 =	vpop (erf);
	(erf) = vpow2.f32 v4  }
0x6d: {  	v3 =	vpop (erf)  }
0x6e: {  	v2 =	vadd.f32 v3, v2;
	(erf) = vpow2.f32 v7  }
0x6f: {  	v3 =	vpop (erf)  }
0x70: {  	v2 =	vadd.f32 v2, v3;
	(erf) = vpow2.f32 v5  }
0x71: {  	v3 =	vpop (erf)  }
0x72: {  	v2 =	vadd.f32 v2, v3  }
0x73: {  	v3 =	vpop (erf)  }
0x74: {  	v2 =	vadd.f32 v2, v3  }
0x75: {  	v3 =	vpop (erf)  }
0x76: {  	v2 =	vadd.f32 v2, v3  }
0x77: {  	v3 =	vpop (erf)  }
0x78: {  	v2 =	vadd.f32 v2, v3  }
0x79: {  	v3 =	vpop (erf)  }
0x7a: {  	v2 =	vadd.f32 v2, v3  }
0x7b: {  	(erf) = vpow2.f32 v1  }
0x7c: {  	(erf) = vrcp.f32 v2;
	_ =	sdelay $0x3  }
.Ltmp0:
0x7d: {  	(pc) =	sbr.rel @p0 .LBB2_2-.Ltmp0, $2  }
0x7e: {  	_ =	sdelay $0x2  }
0x7f: {  	s14 =	smov.u32 s13;
	v1 =	vpop (erf)  }
0x80: {  	v2 =	vpop (erf)  }
0x81: {  	s13 =	sshll.u32 s11, $0x7;
	s12 =	sadd.s32 $0x10, s12;
	v1 =	vmul.f32 v2, v1  }
0x82: {  	s12 =	sand.u32 $0x70, s12;
	s13 =	sand.u32 $0x3FFFFC00, s13;
	[tilespmem:s16+$0x2000] =	vst v2  }
0x83: {  	s13 =	sor.u32 s12, s13;
	[tilespmem:s16+$0x2080] =	vst v1  }
0x84: {  	v1 =	vld [tilespmem:s13+$0x0]  }
0x85: {  	v2 =	vld [tilespmem:s13+$0x80];
	_ =	sdelay $0x2  }
0x86: {  	v3 =	vld [tilespmem:s13+$0x100];
	_ =	sdelay $0x1  }
0x87: {  	v4 =	vld [tilespmem:s13+$0x180];
	vm6 =	vgt.f32 v2, v1  }
0x88: {  	vm7 =	vmneg vm6  }
0x89: {  	v5 =	vld [tilespmem:s13+$0x200];
	v6 =	vsel vm7, v1, v2  }
0x8a: {  	vm5 =	vgt.f32 v3, v6  }
0x8b: {  	v7 =	vld [tilespmem:s13+$0x280];
	v8 =	vsel vm5, v3, v6  }
0x8c: {  	vm2 =	vgt.f32 v4, v8  }
0x8d: {  	v9 =	vld [tilespmem:s13+$0x300];
	v10 =	vsel vm2, v4, v8  }
0x8e: {  	vm3 =	vgt.f32 v5, v10  }
0x8f: {  	v11 =	vld [tilespmem:s13+$0x380];
	v12 =	vsel vm3, v5, v10  }
0x90: {  	vm4 =	vgt.f32 v7, v12  }
0x91: {  	v13 =	vsel vm4, v7, v12  }
0x92: {  	vm1 =	vgt.f32 v9, v13  }
0x93: {  	v14 =	vsel vm1, v9, v13  }
0x94: {  	vm8 =	vlt.f32 v2, $-Inf;
	vm9 =	vgt.f32 v2, $-Inf;
	vm0 =	vgt.f32 v11, v14  }
0x95: {  	vm8 =	vmor vm9, vm8;
	v15 =	vsel vm0, v11, v14  }
0x96: {  	v17 =	vnsel vm8, $0xFF800000, v2;
	v16 =	vsub.f32 v1, v15  }
0x97: {  	v2 =	vsub.f32 v2, v15;
	v1 =	vsel vm7, v17, v1  }
0x98: {  	vm9 =	vgt.f32 v3, v1;
	v16 =	vmul.f32 $1.442695020e+00, v16  }
0x99: {  	v2 =	vmul.f32 $1.442695020e+00, v2;
	v1 =	vsel vm9, v3, v1;
	v3 =	vsub.f32 v3, v15  }
0x9a: {  	(erf) = vpow2.f32 v16  }
0x9b: {  	v3 =	vmul.f32 $1.442695020e+00, v3;
	(erf) = vpow2.f32 v2  }
0x9c: {  	v2 =	vsub.f32 v4, v15  }
0x9d: {  	v58 =	vsub.f32 v5, v15;
	v1 =	vsel vm5, v6, v1;
	(erf) = vpow2.f32 v3  }
0x9e: {  	vm10 =	vgt.f32 v4, v1;
	v3 =	vsub.f32 v7, v15;
	v2 =	vmul.f32 $1.442695020e+00, v2  }
0x9f: {  	v1 =	vsel vm10, v4, v1;
	v4 =	vmul.f32 $1.442695020e+00, v58  }
0xa0: {  	v3 =	vmul.f32 $1.442695020e+00, v3;
	(erf) = vpow2.f32 v2  }
0xa1: {  	v1 =	vsel vm2, v8, v1;
	v2 =	vsub.f32 v9, v15  }
0xa2: {  	vm11 =	vgt.f32 v5, v1;
	(erf) = vpow2.f32 v4  }
0xa3: {  	v60 =	vsub.f32 v11, v15;
	v1 =	vsel vm11, v5, v1;
	v2 =	vmul.f32 $1.442695020e+00, v2;
	v59 =	vpop (erf)  }
0xa4: {  	v1 =	vsel vm3, v10, v1;
	(erf) = vpow2.f32 v3;
	v3 =	vpop (erf)  }
0xa5: {  	(erf) = vpow2.f32 v2;
	v2 =	vmul.f32 $1.442695020e+00, v60;
	v3 =	vadd.f32 v3, v59  }
0xa6: {  	vm12 =	vgt.f32 v7, v1;
	v61 =	vpop (erf)  }
0xa7: {  	v1 =	vsel vm12, v7, v1;
	v3 =	vadd.f32 v3, v61  }
0xa8: {  	v1 =	vsel vm4, v12, v1;
	(erf) = vpow2.f32 v2  }
0xa9: {  	vm13 =	vgt.f32 v9, v1;
	v2 =	vpop (erf)  }
0xaa: {  	v1 =	vsel vm13, v9, v1;
	v2 =	vadd.f32 v3, v2  }
0xab: {  	v1 =	vsel vm1, v13, v1;
	v3 =	vpop (erf)  }
0xac: {  	vm14 =	vgt.f32 v11, v1;
	v2 =	vadd.f32 v2, v3  }
0xad: {  	v1 =	vsel vm14, v11, v1;
	v3 =	vpop (erf)  }
0xae: {  	vm7 =	vmand vm7, vm8;
	v1 =	vsel vm0, v14, v1;
	v2 =	vadd.f32 v2, v3  }
0xaf: {  	v62 =	vsel vm7, $0x1, v0;
	v1 =	vsub.f32 v1, v15;
	v3 =	vpop (erf)  }
0xb0: {  	v4 =	vsel vm9, $0x2, v62;
	v2 =	vadd.f32 v2, v3;
	v3 =	vsel vm6, $0x1, v0  }
0xb1: {  	v1 =	vmul.f32 $1.442695020e+00, v1;
	v63 =	vpop (erf);
	v4 =	vsel vm5, v3, v4  }
0xb2: {  	v3 =	vsel vm5, $0x2, v3;
	v2 =	vadd.f32 v2, v63;
	v4 =	vsel vm10, $0x3, v4  }
0xb3: {  	(erf) = vpow2.f32 v1;
	v1 =	vsel vm2, v3, v4  }
0xb4: {  	(erf) = vrcp.f32 v2;
	v2 =	vsel vm2, $0x3, v3;
	v1 =	vsel vm11, $0x4, v1  }
0xb5: {  	v1 =	vsel vm3, v2, v1  }
0xb6: {  	v2 =	vsel vm3, $0x4, v2;
	v1 =	vsel vm12, $0x5, v1  }
0xb7: {  	v1 =	vsel vm4, v2, v1  }
0xb8: {  	v2 =	vsel vm4, $0x5, v2;
	v1 =	vsel vm13, $0x6, v1  }
0xb9: {  	v1 =	vsel vm1, v2, v1  }
0xba: {  	v2 =	vsel vm1, $0x6, v2;
	v1 =	vsel vm14, $0x7, v1  }
0xbb: {  	s31 =	sshll.u32 s11, $0x5;
	v1 =	vsel vm0, v2, v1  }
0xbc: {  	s11 =	sand.u32 $0xFFFFFF00, s31  }
0xbd: {  	s11 =	sor.u32 s12, s11;
	v3 =	vpop (erf)  }
0xbe: {  	v2 =	vsel vm0, $0x7, v2;
	[tilespmem:s11+$0x2880] =	vst v1;
	v1 =	vpop (erf)  }
0xbf: {  	[tilespmem:s11+$0x2800] =	vst v2;
	v2 =	vmul.f32 v1, v3  }
0xc0: {  	[tilespmem:s11+$0x2000] =	vst v1  }
0xc1: {  	[tilespmem:s11+$0x2080] =	vst v2  }
0xc2: {  	[hbm4b:s4+s2] =	stream.linear.scatter [tilespmem:s8], [sflag:$0x1], $0x800, $0x38;
	[tilespmem:$0x3000] =	vst v63  }
0xc3: {  	s10 =	sadd.s32 $0x1, s10;
	_ =	swait.ge [sflag:s7], $0x800  }
0xc4: {  	p0 =	sne.s32 s10, s6;
	[sflag:s7] =	ssyncset.done $0x0  }
.Ltmp1:
0xc5: {  	[sflag:s7] =	ssyncadd.s32 $0xFFFFF800;
	(pc) =	sbr.rel @p0 .LBB2_1-.Ltmp1, $4  }
0xc6: {  	[hbm4b:s5+s2] =	stream.linear.scatter [tilespmem:s9], [sflag:$0x1], $0x800, $0x38;
	[tilespmem:$0x3000] =	vst v63  }
0xc7: {  	_ =	swait.ge [sflag:s7], $0x800  }
0xc8: {  	[sflag:s7] =	ssyncset.done $0x0  }
0xc9: {  	[sflag:s7] =	ssyncadd.s32 $0xFFFFF800  }
0xca: {  	_ =	sfence.sel $0x180000  }
0xcb: {  	[bflag:$0x0] =	sbarrier.arrive $0xFFFF  }
0xcc: {  	p0 =	sne.s32 s1, $0x0;
	_ =	strace $0x90000047  }
0xcd: {  	s0 =	sadd.s32 @!p0 $0x100000, s0;
	[bflag:$0x2] =	sbarrier.arrive $0xFFFF  }
0xce: {  	[sflag:s0] =	ssyncadd.tile.s32 @!p0 $0x1;
	_ =	shalt  }
.Lfunc_end2:
_tile_overlayer_lowered:
.L_overlay_start_2:
0xcf: {  	(tag) =	ssettag $0x2  }
0xd0: {  	s0 =	rddreg [dreg:$0x0];
	s2 =	stileid.u32  }
0xd1: {  	s1 =	rddreg [dreg:$0x1];
	p0 =	sne.s32 s2, $0x0  }
0xd2: {  	s3 =	rddreg [dreg:$0x2];
	[bflag:$0x3] =	sbarrier.arrive $0xFFFF;
	s2 =	simm.s32 @!p0 $0x1C01  }
0xd3: {  	[timem:s3], [sflag:s2] =	dma.local @!p0 [hbm:s0], s1  }
0xd4: {  	s0 =	simm.s32 @!p0 $0x1  }
0xd5: {  	_ =	swait.ge @!p0 [sflag:s0], s1  }
0xd6: {  	s1 =	ssub.s32 @!p0 $0x0, s1;
	[sflag:s0] =	ssyncset.done @!p0 $0x0  }
0xd7: {  	[sflag:s0] =	ssyncadd.s32 @!p0 s1  }
0xd8: {  	[bflag:$0x3] =	sbarrier.arrive $0xFFFF  }
0xd9: {  	_ =	shalt  }

</sc_bundles>
